<compile_context>
chip_gen: v7x
topology: tpu7x:2x2x1
jax: 0.10.2.dev20260603
libtpu: 0.0.44.dev20260713+nightly
codegen_flags: <defaults>
</compile_context>

<pallas_src>
import functools

import jax
import jax.numpy as jnp
from jax import lax
from jax.experimental import pallas as pl
from jax.experimental.pallas import tpu as pltpu
from jax.experimental.pallas import tpu_sc as plsc

B, D2, V, D = 16384, 64, 100000, 128
NC, NS = 2, 16
NW = NC * NS
BPW = B // NW
NCH = 4
CH = BPW // NCH

BB = 2048


@functools.cache
def _make_sc_gather():
    mesh = plsc.VectorSubcoreMesh(core_axis_name="c", subcore_axis_name="s")

    @functools.partial(
        pl.kernel,
        mesh=mesh,
        out_type=jax.ShapeDtypeStruct((B, D), jnp.float32),
        scratch_types=[
            pltpu.VMEM((BPW,), jnp.int32),
            pltpu.VMEM((BPW, D), jnp.float32),
            pltpu.SemaphoreType.DMA,
        ],
    )
    def sc_gather(table_hbm, idx_hbm, out_hbm, idx_v, rows_v, sem):
        wid = lax.axis_index("s") * NC + lax.axis_index("c")
        base = wid * BPW
        pltpu.sync_copy(idx_hbm.at[pl.ds(base, BPW)], idx_v)
        descs = [
            pltpu.async_copy(table_hbm.at[idx_v.at[pl.ds(c * CH, CH)]],
                             rows_v.at[pl.ds(c * CH, CH)], sem)
            for c in range(NCH)
        ]
        for d in descs:
            d.wait()
        pltpu.sync_copy(rows_v, out_hbm.at[pl.ds(base, BPW)])

    return sc_gather


def _fast_rsqrt(v):
    bits = lax.bitcast_convert_type(v, jnp.int32)
    i = jnp.int32(0x5F3759DF) - lax.shift_right_logical(bits, 1)
    s = lax.bitcast_convert_type(i, jnp.float32)
    s = s * (1.5 - 0.5 * v * s * s)
    s = s * (1.5 - 0.5 * v * s * s)
    return s


def _tc_body(lam_ref, lam2_ref, emb_ref, hhm_ref, htm_ref, hhp_ref, htp_ref,
             out_ref):
    emb = emb_ref[:]
    sq = emb * emb
    r2t = jnp.transpose(sq[:, :D2] + sq[:, D2:])
    xt = jnp.transpose(emb[:, :D2])
    yt = jnp.transpose(emb[:, D2:])

    inv = _fast_rsqrt(r2t)
    r = r2t * inv

    t = hhm_ref[:] * r - htm_ref[:]
    dm2 = jnp.sum(t * t, axis=0)

    ph = hhp_ref[:] - htp_ref[:]
    t2 = ph * ph
    sinp = ph * (1.0 + t2 * (-0.16666667 + t2 * (0.008333333
                                                 + t2 * -0.00019841270)))
    cosp = 1.0 + t2 * (-0.5 + t2 * (0.041666668 + t2 * (-0.0013888889
                                                        + t2 * 2.4801587e-5)))
    z = jnp.maximum(r + cosp * xt - sinp * yt, 0.0)
    q = 0.5 * z * inv
    dp = jnp.sum(q * _fast_rsqrt(q), axis=0)

    d_m = dm2 * _fast_rsqrt(jnp.maximum(dm2, 1e-30))
    out_ref[:] = -(lam2_ref[0] * d_m + lam_ref[0] * dp)


def kernel(h_head_m, h_tail_m, h_head_p, h_tail_p, rels, W, lam, lam2):
    emb = _make_sc_gather()(W, rels.astype(jnp.int32))

    return pl.pallas_call(
        _tc_body,
        grid=(B // BB,),
        in_specs=[
            pl.BlockSpec(memory_space=pltpu.SMEM),
            pl.BlockSpec(memory_space=pltpu.SMEM),
            pl.BlockSpec((BB, D), lambda i: (i, 0)),
            pl.BlockSpec((D2, BB), lambda i: (0, i)),
            pl.BlockSpec((D2, BB), lambda i: (0, i)),
            pl.BlockSpec((D2, BB), lambda i: (0, i)),
            pl.BlockSpec((D2, BB), lambda i: (0, i)),
        ],
        out_specs=pl.BlockSpec((BB,), lambda i: (i,)),
        out_shape=jax.ShapeDtypeStruct((B,), jnp.float32),
    )(lam, lam2, emb, h_head_m.T, h_tail_m.T, h_head_p.T, h_tail_p.T)

# --- scband reference (transcript-rebuilt; emitter-appended) ---
"""Pipeline reference for scband-hake-7206955123169 (READ-ONLY COPY).

The authoritative reference and input builder live on the scoring server;
editing this copy changes nothing except your own understanding.
"""

import jax, jax.numpy as jnp
import numpy as np

B, D2, V, D = 16384, 64, 100000, 128

def setup_inputs(seed: int = 0):
    key = jax.random.key(seed)
    ks = jax.random.split(key, 8)
    return {
        "h_head_m": jax.random.uniform(ks[0], (B, D2), dtype=jnp.float32),
        "h_tail_m": jax.random.uniform(ks[1], (B, D2), dtype=jnp.float32),
        "h_head_p": jax.random.uniform(ks[2], (B, D2), dtype=jnp.float32),
        "h_tail_p": jax.random.uniform(ks[3], (B, D2), dtype=jnp.float32),
        "rels": jax.random.randint(ks[4], (B,), 0, V, dtype=jnp.int64) if jax.config.jax_enable_x64 else jax.random.randint(ks[4], (B,), 0, V, dtype=jnp.int32),
        "W": jax.random.normal(ks[5], (V, D), dtype=jnp.float32) * 0.05,
        "lam": jnp.ones((1,), dtype=jnp.float32),
        "lam2": jnp.ones((1,), dtype=jnp.float32),
    }

def hake_embed(W, idx):
    # nn.Embedding lookup -> gather rows
    emb = jnp.take(W, idx, axis=0)
    x, y = jnp.split(emb, 2, axis=-1)
    m = jnp.sqrt(jnp.square(x) + jnp.square(y))
    p = jnp.arctan2(y, x) + np.pi
    return jnp.concatenate([m, p], axis=-1)

def reference(h_head_m, h_tail_m, h_head_p, h_tail_p, rels, W, lam, lam2):
    h_rel = hake_embed(W, rels)
    h_rel_m, h_rel_p = jnp.split(h_rel, 2, axis=-1)
    d_m = jnp.linalg.norm(h_head_m * h_rel_m - h_tail_m, ord=2, axis=-1)
    d_p = jnp.sum(jnp.abs(jnp.sin((h_head_p + h_rel_p - h_tail_p) / 2.0)), axis=-1)
    score = -(lam2 * d_m + lam * d_p)
    return score

if __name__ == "__main__":
    import jax
    _d = setup_inputs()
    print(jax.jit(kernel)(*tuple(_d.values())))

</pallas_src>

<mosaic_0001>
#map = affine_map<(d0, d1) -> (0, 0)>
#map1 = affine_map<(d0, d1) -> (0)>
module attributes {stable_mosaic.version = 14 : i64} {
  func.func @sc_gather(%arg0: i32, %arg1: i32, %arg2: memref<100000x128xf32, #tpu.memory_space<hbm>>, %arg3: memref<16384xi32, #tpu.memory_space<hbm>>, %arg4: memref<16384x128xf32, #tpu.memory_space<hbm>>, %arg5: memref<512xi32, #tpu.memory_space<vmem>>, %arg6: memref<512x128xf32, #tpu.memory_space<vmem>>, %arg7: memref<!tpu.dma_semaphore, #tpu.memory_space<semaphore_mem>>) attributes {dimension_semantics = [#tpu.dimension_semantics<core_parallel>, #tpu.dimension_semantics<subcore_parallel>], iteration_bounds = array<i64: 2, 16>, scalar_prefetch = 0 : i64, scratch_operands = 3 : i64, tpu.core_type = #tpu.core_type<sc_vector_subcore>, window_params = [{transform_indices = #map}, {transform_indices = #map1}, {transform_indices = #map}]} {
    %mul3A = arith.constant 2 : i32
    %mul3A_0 = arith.muli %arg1, %mul3A : i32
    %add3A = arith.addi %mul3A_0, %arg0 : i32
    %mul3A_1 = arith.constant 512 : i32
    %mul3A_2 = arith.muli %add3A, %mul3A_1 : i32
    "tpu.region"() ({
      %run_scoped3A = tpu.sem_alloc : memref<!tpu.dma_semaphore, #tpu.memory_space<semaphore_mem>>
      %dma_start3A_65 = tpu.memref_slice %arg3[%mul3A_2] : memref<16384xi32, #tpu.memory_space<hbm>> -> memref<512xi32, #tpu.memory_space<hbm>>
      %dma_start3A_66 = tpu.memref_slice %arg3[%mul3A_2] : memref<16384xi32, #tpu.memory_space<hbm>> -> memref<512xi32, #tpu.memory_space<hbm>>
      tpu.enqueue_dma source(%dma_start3A_66 : memref<512xi32, #tpu.memory_space<hbm>>) target(%arg5 : memref<512xi32, #tpu.memory_space<vmem>>) target_semaphore(%run_scoped3A : memref<!tpu.dma_semaphore, #tpu.memory_space<semaphore_mem>>)
      %dma_wait3A_67 = tpu.memref_slice %arg3[%mul3A_2] : memref<16384xi32, #tpu.memory_space<hbm>> -> memref<512xi32, #tpu.memory_space<hbm>>
      %dma_wait3A_68 = tpu.memref_slice %arg3[%mul3A_2] : memref<16384xi32, #tpu.memory_space<hbm>> -> memref<512xi32, #tpu.memory_space<hbm>>
      tpu.wait_dma2 semaphore(%run_scoped3A : memref<!tpu.dma_semaphore, #tpu.memory_space<semaphore_mem>>) src(%dma_wait3A_68 : memref<512xi32, #tpu.memory_space<hbm>>) dst(%arg5 : memref<512xi32, #tpu.memory_space<vmem>>)
      tpu.yield
    }) : () -> ()
    %dma_start3A = arith.constant 0 : i32
    %dma_start3A_3 = arith.constant 0 : i32
    %dma_start3A_4 = tpu.memref_slice %arg6[%dma_start3A, %dma_start3A_3] : memref<512x128xf32, #tpu.memory_space<vmem>> -> memref<128x128xf32, #tpu.memory_space<vmem>>
    %dma_start3A_5 = arith.constant 0 : i32
    %dma_start3A_6 = tpu.memref_slice %arg5[%dma_start3A_5] : memref<512xi32, #tpu.memory_space<vmem>> -> memref<128xi32, #tpu.memory_space<vmem>>
    %dma_start3A_7 = arith.constant 0 : i32
    %dma_start3A_8 = arith.constant 0 : i32
    %dma_start3A_9 = tpu.memref_slice %arg2[%dma_start3A_7, %dma_start3A_8] : memref<100000x128xf32, #tpu.memory_space<hbm>> -> memref<100000x128xf32, #tpu.memory_space<hbm>>
    tpu.enqueue_indirect_dma source(%dma_start3A_9 : memref<100000x128xf32, #tpu.memory_space<hbm>>) target(%dma_start3A_4 : memref<128x128xf32, #tpu.memory_space<vmem>>) offsets(%dma_start3A_6 : memref<128xi32, #tpu.memory_space<vmem>>) semaphore(%arg7 : memref<!tpu.dma_semaphore, #tpu.memory_space<semaphore_mem>>)
    %dma_start3A_10 = arith.constant 128 : i32
    %dma_start3A_11 = arith.constant 0 : i32
    %dma_start3A_12 = tpu.memref_slice %arg6[%dma_start3A_10, %dma_start3A_11] : memref<512x128xf32, #tpu.memory_space<vmem>> -> memref<128x128xf32, #tpu.memory_space<vmem>>
    %dma_start3A_13 = arith.constant 128 : i32
    %dma_start3A_14 = tpu.memref_slice %arg5[%dma_start3A_13] : memref<512xi32, #tpu.memory_space<vmem>> -> memref<128xi32, #tpu.memory_space<vmem>>
    %dma_start3A_15 = arith.constant 0 : i32
    %dma_start3A_16 = arith.constant 0 : i32
    %dma_start3A_17 = tpu.memref_slice %arg2[%dma_start3A_15, %dma_start3A_16] : memref<100000x128xf32, #tpu.memory_space<hbm>> -> memref<100000x128xf32, #tpu.memory_space<hbm>>
    tpu.enqueue_indirect_dma source(%dma_start3A_17 : memref<100000x128xf32, #tpu.memory_space<hbm>>) target(%dma_start3A_12 : memref<128x128xf32, #tpu.memory_space<vmem>>) offsets(%dma_start3A_14 : memref<128xi32, #tpu.memory_space<vmem>>) semaphore(%arg7 : memref<!tpu.dma_semaphore, #tpu.memory_space<semaphore_mem>>)
    %dma_start3A_18 = arith.constant 256 : i32
    %dma_start3A_19 = arith.constant 0 : i32
    %dma_start3A_20 = tpu.memref_slice %arg6[%dma_start3A_18, %dma_start3A_19] : memref<512x128xf32, #tpu.memory_space<vmem>> -> memref<128x128xf32, #tpu.memory_space<vmem>>
    %dma_start3A_21 = arith.constant 256 : i32
    %dma_start3A_22 = tpu.memref_slice %arg5[%dma_start3A_21] : memref<512xi32, #tpu.memory_space<vmem>> -> memref<128xi32, #tpu.memory_space<vmem>>
    %dma_start3A_23 = arith.constant 0 : i32
    %dma_start3A_24 = arith.constant 0 : i32
    %dma_start3A_25 = tpu.memref_slice %arg2[%dma_start3A_23, %dma_start3A_24] : memref<100000x128xf32, #tpu.memory_space<hbm>> -> memref<100000x128xf32, #tpu.memory_space<hbm>>
    tpu.enqueue_indirect_dma source(%dma_start3A_25 : memref<100000x128xf32, #tpu.memory_space<hbm>>) target(%dma_start3A_20 : memref<128x128xf32, #tpu.memory_space<vmem>>) offsets(%dma_start3A_22 : memref<128xi32, #tpu.memory_space<vmem>>) semaphore(%arg7 : memref<!tpu.dma_semaphore, #tpu.memory_space<semaphore_mem>>)
    %dma_start3A_26 = arith.constant 384 : i32
    %dma_start3A_27 = arith.constant 0 : i32
    %dma_start3A_28 = tpu.memref_slice %arg6[%dma_start3A_26, %dma_start3A_27] : memref<512x128xf32, #tpu.memory_space<vmem>> -> memref<128x128xf32, #tpu.memory_space<vmem>>
    %dma_start3A_29 = arith.constant 384 : i32
    %dma_start3A_30 = tpu.memref_slice %arg5[%dma_start3A_29] : memref<512xi32, #tpu.memory_space<vmem>> -> memref<128xi32, #tpu.memory_space<vmem>>
    %dma_start3A_31 = arith.constant 0 : i32
    %dma_start3A_32 = arith.constant 0 : i32
    %dma_start3A_33 = tpu.memref_slice %arg2[%dma_start3A_31, %dma_start3A_32] : memref<100000x128xf32, #tpu.memory_space<hbm>> -> memref<100000x128xf32, #tpu.memory_space<hbm>>
    tpu.enqueue_indirect_dma source(%dma_start3A_33 : memref<100000x128xf32, #tpu.memory_space<hbm>>) target(%dma_start3A_28 : memref<128x128xf32, #tpu.memory_space<vmem>>) offsets(%dma_start3A_30 : memref<128xi32, #tpu.memory_space<vmem>>) semaphore(%arg7 : memref<!tpu.dma_semaphore, #tpu.memory_space<semaphore_mem>>)
    %dma_wait3A = arith.constant 0 : i32
    %dma_wait3A_34 = arith.constant 0 : i32
    %dma_wait3A_35 = tpu.memref_slice %arg6[%dma_wait3A, %dma_wait3A_34] : memref<512x128xf32, #tpu.memory_space<vmem>> -> memref<128x128xf32, #tpu.memory_space<vmem>>
    %dma_wait3A_36 = arith.constant 0 : i32
    %dma_wait3A_37 = tpu.memref_slice %arg5[%dma_wait3A_36] : memref<512xi32, #tpu.memory_space<vmem>> -> memref<128xi32, #tpu.memory_space<vmem>>
    %dma_wait3A_38 = arith.constant 0 : i32
    %dma_wait3A_39 = arith.constant 0 : i32
    %dma_wait3A_40 = tpu.memref_slice %arg2[%dma_wait3A_38, %dma_wait3A_39] : memref<100000x128xf32, #tpu.memory_space<hbm>> -> memref<100000x128xf32, #tpu.memory_space<hbm>>
    tpu.wait_indirect_dma semaphore(%arg7 : memref<!tpu.dma_semaphore, #tpu.memory_space<semaphore_mem>>) src(%dma_wait3A_40 : memref<100000x128xf32, #tpu.memory_space<hbm>>) dst(%dma_wait3A_35 : memref<128x128xf32, #tpu.memory_space<vmem>>)
    %dma_wait3A_41 = arith.constant 128 : i32
    %dma_wait3A_42 = arith.constant 0 : i32
    %dma_wait3A_43 = tpu.memref_slice %arg6[%dma_wait3A_41, %dma_wait3A_42] : memref<512x128xf32, #tpu.memory_space<vmem>> -> memref<128x128xf32, #tpu.memory_space<vmem>>
    %dma_wait3A_44 = arith.constant 128 : i32
    %dma_wait3A_45 = tpu.memref_slice %arg5[%dma_wait3A_44] : memref<512xi32, #tpu.memory_space<vmem>> -> memref<128xi32, #tpu.memory_space<vmem>>
    %dma_wait3A_46 = arith.constant 0 : i32
    %dma_wait3A_47 = arith.constant 0 : i32
    %dma_wait3A_48 = tpu.memref_slice %arg2[%dma_wait3A_46, %dma_wait3A_47] : memref<100000x128xf32, #tpu.memory_space<hbm>> -> memref<100000x128xf32, #tpu.memory_space<hbm>>
    tpu.wait_indirect_dma semaphore(%arg7 : memref<!tpu.dma_semaphore, #tpu.memory_space<semaphore_mem>>) src(%dma_wait3A_48 : memref<100000x128xf32, #tpu.memory_space<hbm>>) dst(%dma_wait3A_43 : memref<128x128xf32, #tpu.memory_space<vmem>>)
    %dma_wait3A_49 = arith.constant 256 : i32
    %dma_wait3A_50 = arith.constant 0 : i32
    %dma_wait3A_51 = tpu.memref_slice %arg6[%dma_wait3A_49, %dma_wait3A_50] : memref<512x128xf32, #tpu.memory_space<vmem>> -> memref<128x128xf32, #tpu.memory_space<vmem>>
    %dma_wait3A_52 = arith.constant 256 : i32
    %dma_wait3A_53 = tpu.memref_slice %arg5[%dma_wait3A_52] : memref<512xi32, #tpu.memory_space<vmem>> -> memref<128xi32, #tpu.memory_space<vmem>>
    %dma_wait3A_54 = arith.constant 0 : i32
    %dma_wait3A_55 = arith.constant 0 : i32
    %dma_wait3A_56 = tpu.memref_slice %arg2[%dma_wait3A_54, %dma_wait3A_55] : memref<100000x128xf32, #tpu.memory_space<hbm>> -> memref<100000x128xf32, #tpu.memory_space<hbm>>
    tpu.wait_indirect_dma semaphore(%arg7 : memref<!tpu.dma_semaphore, #tpu.memory_space<semaphore_mem>>) src(%dma_wait3A_56 : memref<100000x128xf32, #tpu.memory_space<hbm>>) dst(%dma_wait3A_51 : memref<128x128xf32, #tpu.memory_space<vmem>>)
    %dma_wait3A_57 = arith.constant 384 : i32
    %dma_wait3A_58 = arith.constant 0 : i32
    %dma_wait3A_59 = tpu.memref_slice %arg6[%dma_wait3A_57, %dma_wait3A_58] : memref<512x128xf32, #tpu.memory_space<vmem>> -> memref<128x128xf32, #tpu.memory_space<vmem>>
    %dma_wait3A_60 = arith.constant 384 : i32
    %dma_wait3A_61 = tpu.memref_slice %arg5[%dma_wait3A_60] : memref<512xi32, #tpu.memory_space<vmem>> -> memref<128xi32, #tpu.memory_space<vmem>>
    %dma_wait3A_62 = arith.constant 0 : i32
    %dma_wait3A_63 = arith.constant 0 : i32
    %dma_wait3A_64 = tpu.memref_slice %arg2[%dma_wait3A_62, %dma_wait3A_63] : memref<100000x128xf32, #tpu.memory_space<hbm>> -> memref<100000x128xf32, #tpu.memory_space<hbm>>
    tpu.wait_indirect_dma semaphore(%arg7 : memref<!tpu.dma_semaphore, #tpu.memory_space<semaphore_mem>>) src(%dma_wait3A_64 : memref<100000x128xf32, #tpu.memory_space<hbm>>) dst(%dma_wait3A_59 : memref<128x128xf32, #tpu.memory_space<vmem>>)
    "tpu.region"() ({
      %run_scoped3A = tpu.sem_alloc : memref<!tpu.dma_semaphore, #tpu.memory_space<semaphore_mem>>
      %dma_start3A_65 = arith.constant 0 : i32
      %dma_start3A_66 = tpu.memref_slice %arg4[%mul3A_2, %dma_start3A_65] : memref<16384x128xf32, #tpu.memory_space<hbm>> -> memref<512x128xf32, #tpu.memory_space<hbm>>
      %dma_start3A_67 = arith.constant 0 : i32
      %dma_start3A_68 = tpu.memref_slice %arg4[%mul3A_2, %dma_start3A_67] : memref<16384x128xf32, #tpu.memory_space<hbm>> -> memref<512x128xf32, #tpu.memory_space<hbm>>
      tpu.enqueue_dma source(%arg6 : memref<512x128xf32, #tpu.memory_space<vmem>>) target(%dma_start3A_68 : memref<512x128xf32, #tpu.memory_space<hbm>>) target_semaphore(%run_scoped3A : memref<!tpu.dma_semaphore, #tpu.memory_space<semaphore_mem>>)
      %dma_wait3A_69 = arith.constant 0 : i32
      %dma_wait3A_70 = tpu.memref_slice %arg4[%mul3A_2, %dma_wait3A_69] : memref<16384x128xf32, #tpu.memory_space<hbm>> -> memref<512x128xf32, #tpu.memory_space<hbm>>
      %dma_wait3A_71 = arith.constant 0 : i32
      %dma_wait3A_72 = tpu.memref_slice %arg4[%mul3A_2, %dma_wait3A_71] : memref<16384x128xf32, #tpu.memory_space<hbm>> -> memref<512x128xf32, #tpu.memory_space<hbm>>
      tpu.wait_dma2 semaphore(%run_scoped3A : memref<!tpu.dma_semaphore, #tpu.memory_space<semaphore_mem>>) src(%arg6 : memref<512x128xf32, #tpu.memory_space<vmem>>) dst(%dma_wait3A_72 : memref<512x128xf32, #tpu.memory_space<hbm>>)
      tpu.yield
    }) : () -> ()
    return
  }
}

module attributes {stable_mosaic.version = 14 : i64} {
  func.func @_tc_body(%arg0: i32, %arg1: memref<1xf32, #tpu.memory_space<smem>>, %arg2: memref<1xf32, #tpu.memory_space<smem>>, %arg3: memref<2048x128xf32, #tpu.memory_space<vmem>>, %arg4: memref<64x2048xf32, #tpu.memory_space<vmem>>, %arg5: memref<64x2048xf32, #tpu.memory_space<vmem>>, %arg6: memref<64x2048xf32, #tpu.memory_space<vmem>>, %arg7: memref<64x2048xf32, #tpu.memory_space<vmem>>, %arg8: memref<2048xf32, #tpu.memory_space<vmem>>) attributes {dimension_semantics = [#tpu.dimension_semantics<arbitrary>], iteration_bounds = array<i64: 8>, scalar_prefetch = 0 : i64, scratch_operands = 0 : i64, tpu.core_type = #tpu.core_type<tc>, window_params = [{transform_indices = @transform_0, window_bounds = array<i64: 1>}, {transform_indices = @transform_1, window_bounds = array<i64: 1>}, {transform_indices = @transform_2, window_bounds = array<i64: 2048, 128>}, {transform_indices = @transform_3, window_bounds = array<i64: 64, 2048>}, {transform_indices = @transform_4, window_bounds = array<i64: 64, 2048>}, {transform_indices = @transform_5, window_bounds = array<i64: 64, 2048>}, {transform_indices = @transform_6, window_bounds = array<i64: 64, 2048>}, {transform_indices = @transform_7, window_bounds = array<i64: 2048>}]} {
    %get3A = arith.constant 0 : index
    %get3A_0 = arith.constant 0 : index
    %get3A_1 = vector.load %arg3[%get3A, %get3A_0] : memref<2048x128xf32, #tpu.memory_space<vmem>>, vector<2048x128xf32>
    %mul3A = arith.mulf %get3A_1, %get3A_1 : vector<2048x128xf32>
    %slice3A = vector.extract_strided_slice %mul3A {offsets = [0, 0], sizes = [2048, 64], strides = [1, 1]} : vector<2048x128xf32> to vector<2048x64xf32>
    %slice3A_2 = vector.extract_strided_slice %mul3A {offsets = [0, 64], sizes = [2048, 64], strides = [1, 1]} : vector<2048x128xf32> to vector<2048x64xf32>
    %add3A = arith.addf %slice3A, %slice3A_2 : vector<2048x64xf32>
    %transpose3A = tpu.transpose %add3A, [1, 0] : vector<2048x64xf32> -> vector<64x2048xf32>
    %slice3A_3 = vector.extract_strided_slice %get3A_1 {offsets = [0, 0], sizes = [2048, 64], strides = [1, 1]} : vector<2048x128xf32> to vector<2048x64xf32>
    %transpose3A_4 = tpu.transpose %slice3A_3, [1, 0] : vector<2048x64xf32> -> vector<64x2048xf32>
    %slice3A_5 = vector.extract_strided_slice %get3A_1 {offsets = [0, 64], sizes = [2048, 64], strides = [1, 1]} : vector<2048x128xf32> to vector<2048x64xf32>
    %transpose3A_6 = tpu.transpose %slice3A_5, [1, 0] : vector<2048x64xf32> -> vector<64x2048xf32>
    %bitcast_convert_type3A = tpu.bitcast %transpose3A : vector<64x2048xf32> -> vector<64x2048xi32>
    %shift_right_logical3A = arith.constant 1 : i32
    %shift_right_logical3A_7 = vector.broadcast %shift_right_logical3A : i32 to vector<64x2048xi32>
    %shift_right_logical3A_8 = arith.shrui %bitcast_convert_type3A, %shift_right_logical3A_7 : vector<64x2048xi32>
    %sub3A = arith.constant 1597463007 : i32
    %sub3A_9 = vector.broadcast %sub3A : i32 to vector<64x2048xi32>
    %sub3A_10 = arith.subi %sub3A_9, %shift_right_logical3A_8 : vector<64x2048xi32>
    %bitcast_convert_type3A_11 = tpu.bitcast %sub3A_10 : vector<64x2048xi32> -> vector<64x2048xf32>
    %mul3A_12 = arith.constant 5.000000e-01 : f32
    %mul3A_13 = vector.broadcast %mul3A_12 : f32 to vector<64x2048xf32>
    %mul3A_14 = arith.mulf %mul3A_13, %transpose3A : vector<64x2048xf32>
    %mul3A_15 = arith.mulf %mul3A_14, %bitcast_convert_type3A_11 : vector<64x2048xf32>
    %mul3A_16 = arith.mulf %mul3A_15, %bitcast_convert_type3A_11 : vector<64x2048xf32>
    %sub3A_17 = arith.constant 1.500000e+00 : f32
    %sub3A_18 = vector.broadcast %sub3A_17 : f32 to vector<64x2048xf32>
    %sub3A_19 = arith.subf %sub3A_18, %mul3A_16 : vector<64x2048xf32>
    %mul3A_20 = arith.mulf %bitcast_convert_type3A_11, %sub3A_19 : vector<64x2048xf32>
    %mul3A_21 = arith.constant 5.000000e-01 : f32
    %mul3A_22 = vector.broadcast %mul3A_21 : f32 to vector<64x2048xf32>
    %mul3A_23 = arith.mulf %mul3A_22, %transpose3A : vector<64x2048xf32>
    %mul3A_24 = arith.mulf %mul3A_23, %mul3A_20 : vector<64x2048xf32>
    %mul3A_25 = arith.mulf %mul3A_24, %mul3A_20 : vector<64x2048xf32>
    %sub3A_26 = arith.constant 1.500000e+00 : f32
    %sub3A_27 = vector.broadcast %sub3A_26 : f32 to vector<64x2048xf32>
    %sub3A_28 = arith.subf %sub3A_27, %mul3A_25 : vector<64x2048xf32>
    %mul3A_29 = arith.mulf %mul3A_20, %sub3A_28 : vector<64x2048xf32>
    %mul3A_30 = arith.mulf %transpose3A, %mul3A_29 : vector<64x2048xf32>
    %get3A_31 = arith.constant 0 : index
    %get3A_32 = arith.constant 0 : index
    %get3A_33 = vector.load %arg4[%get3A_31, %get3A_32] : memref<64x2048xf32, #tpu.memory_space<vmem>>, vector<64x2048xf32>
    %mul3A_34 = arith.mulf %get3A_33, %mul3A_30 : vector<64x2048xf32>
    %get3A_35 = arith.constant 0 : index
    %get3A_36 = arith.constant 0 : index
    %get3A_37 = vector.load %arg5[%get3A_35, %get3A_36] : memref<64x2048xf32, #tpu.memory_space<vmem>>, vector<64x2048xf32>
    %sub3A_38 = arith.subf %mul3A_34, %get3A_37 : vector<64x2048xf32>
    %mul3A_39 = arith.mulf %sub3A_38, %sub3A_38 : vector<64x2048xf32>
    %reduce_sum3A = arith.constant dense<0.000000e+00> : vector<2048xf32>
    %reduce_sum3A_40 = vector.multi_reduction <add>, %mul3A_39, %reduce_sum3A [0] : vector<64x2048xf32> to vector<2048xf32>
    %get3A_41 = arith.constant 0 : index
    %get3A_42 = arith.constant 0 : index
    %get3A_43 = vector.load %arg6[%get3A_41, %get3A_42] : memref<64x2048xf32, #tpu.memory_space<vmem>>, vector<64x2048xf32>
    %get3A_44 = arith.constant 0 : index
    %get3A_45 = arith.constant 0 : index
    %get3A_46 = vector.load %arg7[%get3A_44, %get3A_45] : memref<64x2048xf32, #tpu.memory_space<vmem>>, vector<64x2048xf32>
    %sub3A_47 = arith.subf %get3A_43, %get3A_46 : vector<64x2048xf32>
    %mul3A_48 = arith.mulf %sub3A_47, %sub3A_47 : vector<64x2048xf32>
    %mul3A_49 = arith.constant -1.98412701E-4 : f32
    %mul3A_50 = vector.broadcast %mul3A_49 : f32 to vector<64x2048xf32>
    %mul3A_51 = arith.mulf %mul3A_48, %mul3A_50 : vector<64x2048xf32>
    %add3A_52 = arith.constant 0.00833333284 : f32
    %add3A_53 = vector.broadcast %add3A_52 : f32 to vector<64x2048xf32>
    %add3A_54 = arith.addf %add3A_53, %mul3A_51 : vector<64x2048xf32>
    %mul3A_55 = arith.mulf %mul3A_48, %add3A_54 : vector<64x2048xf32>
    %add3A_56 = arith.constant -0.166666672 : f32
    %add3A_57 = vector.broadcast %add3A_56 : f32 to vector<64x2048xf32>
    %add3A_58 = arith.addf %add3A_57, %mul3A_55 : vector<64x2048xf32>
    %mul3A_59 = arith.mulf %mul3A_48, %add3A_58 : vector<64x2048xf32>
    %add3A_60 = arith.constant 1.000000e+00 : f32
    %add3A_61 = vector.broadcast %add3A_60 : f32 to vector<64x2048xf32>
    %add3A_62 = arith.addf %add3A_61, %mul3A_59 : vector<64x2048xf32>
    %mul3A_63 = arith.mulf %sub3A_47, %add3A_62 : vector<64x2048xf32>
    %mul3A_64 = arith.constant 2.48015876E-5 : f32
    %mul3A_65 = vector.broadcast %mul3A_64 : f32 to vector<64x2048xf32>
    %mul3A_66 = arith.mulf %mul3A_48, %mul3A_65 : vector<64x2048xf32>
    %add3A_67 = arith.constant -0.00138888892 : f32
    %add3A_68 = vector.broadcast %add3A_67 : f32 to vector<64x2048xf32>
    %add3A_69 = arith.addf %add3A_68, %mul3A_66 : vector<64x2048xf32>
    %mul3A_70 = arith.mulf %mul3A_48, %add3A_69 : vector<64x2048xf32>
    %add3A_71 = arith.constant 0.0416666679 : f32
    %add3A_72 = vector.broadcast %add3A_71 : f32 to vector<64x2048xf32>
    %add3A_73 = arith.addf %add3A_72, %mul3A_70 : vector<64x2048xf32>
    %mul3A_74 = arith.mulf %mul3A_48, %add3A_73 : vector<64x2048xf32>
    %add3A_75 = arith.constant -5.000000e-01 : f32
    %add3A_76 = vector.broadcast %add3A_75 : f32 to vector<64x2048xf32>
    %add3A_77 = arith.addf %add3A_76, %mul3A_74 : vector<64x2048xf32>
    %mul3A_78 = arith.mulf %mul3A_48, %add3A_77 : vector<64x2048xf32>
    %add3A_79 = arith.constant 1.000000e+00 : f32
    %add3A_80 = vector.broadcast %add3A_79 : f32 to vector<64x2048xf32>
    %add3A_81 = arith.addf %add3A_80, %mul3A_78 : vector<64x2048xf32>
    %mul3A_82 = arith.mulf %add3A_81, %transpose3A_4 : vector<64x2048xf32>
    %add3A_83 = arith.addf %mul3A_30, %mul3A_82 : vector<64x2048xf32>
    %mul3A_84 = arith.mulf %mul3A_63, %transpose3A_6 : vector<64x2048xf32>
    %sub3A_85 = arith.subf %add3A_83, %mul3A_84 : vector<64x2048xf32>
    %max3A = arith.constant 0.000000e+00 : f32
    %max3A_86 = vector.broadcast %max3A : f32 to vector<64x2048xf32>
    %max3A_87 = arith.maximumf %sub3A_85, %max3A_86 : vector<64x2048xf32>
    %mul3A_88 = arith.constant 5.000000e-01 : f32
    %mul3A_89 = vector.broadcast %mul3A_88 : f32 to vector<64x2048xf32>
    %mul3A_90 = arith.mulf %mul3A_89, %max3A_87 : vector<64x2048xf32>
    %mul3A_91 = arith.mulf %mul3A_90, %mul3A_29 : vector<64x2048xf32>
    %bitcast_convert_type3A_92 = tpu.bitcast %mul3A_91 : vector<64x2048xf32> -> vector<64x2048xi32>
    %shift_right_logical3A_93 = arith.constant 1 : i32
    %shift_right_logical3A_94 = vector.broadcast %shift_right_logical3A_93 : i32 to vector<64x2048xi32>
    %shift_right_logical3A_95 = arith.shrui %bitcast_convert_type3A_92, %shift_right_logical3A_94 : vector<64x2048xi32>
    %sub3A_96 = arith.constant 1597463007 : i32
    %sub3A_97 = vector.broadcast %sub3A_96 : i32 to vector<64x2048xi32>
    %sub3A_98 = arith.subi %sub3A_97, %shift_right_logical3A_95 : vector<64x2048xi32>
    %bitcast_convert_type3A_99 = tpu.bitcast %sub3A_98 : vector<64x2048xi32> -> vector<64x2048xf32>
    %mul3A_100 = arith.constant 5.000000e-01 : f32
    %mul3A_101 = vector.broadcast %mul3A_100 : f32 to vector<64x2048xf32>
    %mul3A_102 = arith.mulf %mul3A_101, %mul3A_91 : vector<64x2048xf32>
    %mul3A_103 = arith.mulf %mul3A_102, %bitcast_convert_type3A_99 : vector<64x2048xf32>
    %mul3A_104 = arith.mulf %mul3A_103, %bitcast_convert_type3A_99 : vector<64x2048xf32>
    %sub3A_105 = arith.constant 1.500000e+00 : f32
    %sub3A_106 = vector.broadcast %sub3A_105 : f32 to vector<64x2048xf32>
    %sub3A_107 = arith.subf %sub3A_106, %mul3A_104 : vector<64x2048xf32>
    %mul3A_108 = arith.mulf %bitcast_convert_type3A_99, %sub3A_107 : vector<64x2048xf32>
    %mul3A_109 = arith.constant 5.000000e-01 : f32
    %mul3A_110 = vector.broadcast %mul3A_109 : f32 to vector<64x2048xf32>
    %mul3A_111 = arith.mulf %mul3A_110, %mul3A_91 : vector<64x2048xf32>
    %mul3A_112 = arith.mulf %mul3A_111, %mul3A_108 : vector<64x2048xf32>
    %mul3A_113 = arith.mulf %mul3A_112, %mul3A_108 : vector<64x2048xf32>
    %sub3A_114 = arith.constant 1.500000e+00 : f32
    %sub3A_115 = vector.broadcast %sub3A_114 : f32 to vector<64x2048xf32>
    %sub3A_116 = arith.subf %sub3A_115, %mul3A_113 : vector<64x2048xf32>
    %mul3A_117 = arith.mulf %mul3A_108, %sub3A_116 : vector<64x2048xf32>
    %mul3A_118 = arith.mulf %mul3A_91, %mul3A_117 : vector<64x2048xf32>
    %reduce_sum3A_119 = arith.constant dense<0.000000e+00> : vector<2048xf32>
    %reduce_sum3A_120 = vector.multi_reduction <add>, %mul3A_118, %reduce_sum3A_119 [0] : vector<64x2048xf32> to vector<2048xf32>
    %max3A_121 = arith.constant 1.000000e-30 : f32
    %max3A_122 = vector.broadcast %max3A_121 : f32 to vector<2048xf32>
    %max3A_123 = arith.maximumf %reduce_sum3A_40, %max3A_122 : vector<2048xf32>
    %bitcast_convert_type3A_124 = tpu.bitcast %max3A_123 : vector<2048xf32> -> vector<2048xi32>
    %shift_right_logical3A_125 = arith.constant 1 : i32
    %shift_right_logical3A_126 = vector.broadcast %shift_right_logical3A_125 : i32 to vector<2048xi32>
    %shift_right_logical3A_127 = arith.shrui %bitcast_convert_type3A_124, %shift_right_logical3A_126 : vector<2048xi32>
    %sub3A_128 = arith.constant 1597463007 : i32
    %sub3A_129 = vector.broadcast %sub3A_128 : i32 to vector<2048xi32>
    %sub3A_130 = arith.subi %sub3A_129, %shift_right_logical3A_127 : vector<2048xi32>
    %bitcast_convert_type3A_131 = tpu.bitcast %sub3A_130 : vector<2048xi32> -> vector<2048xf32>
    %mul3A_132 = arith.constant 5.000000e-01 : f32
    %mul3A_133 = vector.broadcast %mul3A_132 : f32 to vector<2048xf32>
    %mul3A_134 = arith.mulf %mul3A_133, %max3A_123 : vector<2048xf32>
    %mul3A_135 = arith.mulf %mul3A_134, %bitcast_convert_type3A_131 : vector<2048xf32>
    %mul3A_136 = arith.mulf %mul3A_135, %bitcast_convert_type3A_131 : vector<2048xf32>
    %sub3A_137 = arith.constant 1.500000e+00 : f32
    %sub3A_138 = vector.broadcast %sub3A_137 : f32 to vector<2048xf32>
    %sub3A_139 = arith.subf %sub3A_138, %mul3A_136 : vector<2048xf32>
    %mul3A_140 = arith.mulf %bitcast_convert_type3A_131, %sub3A_139 : vector<2048xf32>
    %mul3A_141 = arith.constant 5.000000e-01 : f32
    %mul3A_142 = vector.broadcast %mul3A_141 : f32 to vector<2048xf32>
    %mul3A_143 = arith.mulf %mul3A_142, %max3A_123 : vector<2048xf32>
    %mul3A_144 = arith.mulf %mul3A_143, %mul3A_140 : vector<2048xf32>
    %mul3A_145 = arith.mulf %mul3A_144, %mul3A_140 : vector<2048xf32>
    %sub3A_146 = arith.constant 1.500000e+00 : f32
    %sub3A_147 = vector.broadcast %sub3A_146 : f32 to vector<2048xf32>
    %sub3A_148 = arith.subf %sub3A_147, %mul3A_145 : vector<2048xf32>
    %mul3A_149 = arith.mulf %mul3A_140, %sub3A_148 : vector<2048xf32>
    %mul3A_150 = arith.mulf %reduce_sum3A_40, %mul3A_149 : vector<2048xf32>
    %get3A_151 = arith.constant 0 : index
    %get3A_152 = memref.load %arg2[%get3A_151] : memref<1xf32, #tpu.memory_space<smem>>
    %mul3A_153 = vector.broadcast %get3A_152 : f32 to vector<2048xf32>
    %mul3A_154 = arith.mulf %mul3A_153, %mul3A_150 : vector<2048xf32>
    %get3A_155 = arith.constant 0 : index
    %get3A_156 = memref.load %arg1[%get3A_155] : memref<1xf32, #tpu.memory_space<smem>>
    %mul3A_157 = vector.broadcast %get3A_156 : f32 to vector<2048xf32>
    %mul3A_158 = arith.mulf %mul3A_157, %reduce_sum3A_120 : vector<2048xf32>
    %add3A_159 = arith.addf %mul3A_154, %mul3A_158 : vector<2048xf32>
    %neg3A = arith.constant 0.000000e+00 : f32
    %neg3A_160 = vector.broadcast %neg3A : f32 to vector<2048xf32>
    %neg3A_161 = arith.subf %neg3A_160, %add3A_159 : vector<2048xf32>
    %swap3A = arith.constant 0 : index
    %swap3A_162 = vector.load %arg8[%swap3A] : memref<2048xf32, #tpu.memory_space<vmem>>, vector<2048xf32>
    tpu.vector_store %arg8[%swap3A], %neg3A_161 {strides = array<i32>} : memref<2048xf32, #tpu.memory_space<vmem>>, vector<2048xf32>,
    return
  }
  func.func @transform_0(%arg0: i32) -> i32 {
    %c0_i32 = arith.constant 0 : i32
    %c0_i32_0 = arith.constant 0 : i32
    return %c0_i32 : i32
  }
  func.func @transform_1(%arg0: i32) -> i32 {
    %c0_i32 = arith.constant 0 : i32
    %c0_i32_0 = arith.constant 0 : i32
    return %c0_i32 : i32
  }
  func.func @transform_2(%arg0: i32) -> (i32, i32) {
    %c0_i32 = arith.constant 0 : i32
    %c0_i32_0 = arith.constant 0 : i32
    return %arg0, %c0_i32 : i32, i32
  }
  func.func @transform_3(%arg0: i32) -> (i32, i32) {
    %c0_i32 = arith.constant 0 : i32
    %c0_i32_0 = arith.constant 0 : i32
    return %c0_i32, %arg0 : i32, i32
  }
  func.func @transform_4(%arg0: i32) -> (i32, i32) {
    %c0_i32 = arith.constant 0 : i32
    %c0_i32_0 = arith.constant 0 : i32
    return %c0_i32, %arg0 : i32, i32
  }
  func.func @transform_5(%arg0: i32) -> (i32, i32) {
    %c0_i32 = arith.constant 0 : i32
    %c0_i32_0 = arith.constant 0 : i32
    return %c0_i32, %arg0 : i32, i32
  }
  func.func @transform_6(%arg0: i32) -> (i32, i32) {
    %c0_i32 = arith.constant 0 : i32
    %c0_i32_0 = arith.constant 0 : i32
    return %c0_i32, %arg0 : i32, i32
  }
  func.func @transform_7(%arg0: i32) -> i32 {
    %c0_i32 = arith.constant 0 : i32
    return %arg0 : i32
  }
}

</mosaic_0001>

<sc_bundles>
// kernel: kernel.4.cloned.1.call-start
scs
__scs_entry_jumppad:
0x0: {  	(pc) =	sbr.rel $0x88, $3  }
0x1: {  	(tag) =	ssettag $0x0;
	lr =	simm.s32 $0x1  }
0x2: {  	[smem:$0x3F99] =	sst lr;
	_ =	strace $0xD0000000  }
0x3: {  	_ = 	snop  }
0x4: {  	_ = 	snop  }
0x5: {  	_ = 	snop  }
0x6: {  	_ = 	snop  }
0x7: {  	_ = 	snop  }
__scs_overlays_trampoline_lowered:
0x8: {  	[smem:$0x3FA8] =	sst s0  }
0x9: {  	[smem:$0x3FA9] =	sst s1  }
0xa: {  	[smem:$0x3FAA] =	sst s2  }
0xb: {  	[smem:$0x3FAB] =	sst s3  }
0xc: {  	[smem:$0x3FAC] =	sst s4  }
0xd: {  	[smem:$0x3FAD] =	sst s5  }
0xe: {  	[smem:$0x3FAE] =	sst s6  }
0xf: {  	[smem:$0x3FAF] =	sst s7  }
0x10: {  	[smem:$0x3FB0] =	sst s8  }
0x11: {  	[smem:$0x3FB1] =	sst s9;
	s0 =	simm.s32 @!p0 $0x0  }
0x12: {  	s1 =	sld [smem:$0x3F97];
	s0 =	simm.s32 @p0 $0x1  }
0x13: {  	[smem:$0x3FB2] =	sst s0;
	s0 =	simm.s32 @!p1 $0x0  }
0x14: {  	s2 =	sld [smem:$0x3F96];
	s0 =	simm.s32 @p1 $0x1  }
0x15: {  	[smem:$0x3FB3] =	sst s0;
	s0 =	simm.s32 @!p2 $0x0  }
0x16: {  	s3 =	sld [smem:$0x3FDB];
	s0 =	simm.s32 @p2 $0x1  }
0x17: {  	s4 =	simm.s32 $0x1BF5;
	[smem:$0x3FB5] =	sst s0  }
0x18: {  	s0 =	sld [smem:$0x3F98];
	_ =	swait.ge [sflag:s4], $0x0  }
0x19: {  	s7 =	sld [smem:$0x3F99]  }
0x1a: {  	s8 =	sadd.s32 $0xFFFFE003, lr  }
0x1b: {  	s9 =	sadd.s32 $0xFFFFFEF7, lr;
	s5 =	simm.s32 $0xFFFFFFFF;
	p2 =	slt.u32 s8, $0xFFFFF086  }
0x1c: {  	p1 =	slt.u32 s9, $0xF7A;
	s5 =	simm.s32 @!p2 $0x0  }
0x1d: {  	s5 =	simm.s32 @p1 $0x1;
	p0 =	seq.s32 s7, s2  }
0x1e: {  	s7 =	smul.u32 @!p0 $0xF7A, s2;
	p2 =	seq.s32 @!p0 s5, $0x0  }
0x1f: {  	s9 =	smul.u32 $0xF7A, s1;
	s8 =	simm.s32 @!p0 $0x1BF5;
	p2 =	por !p2, p0  }
0x20: {  	[sflag:s8] =	ssyncset.s32 @!p0 $0xFFFFF086;
	s6 =	sadd.s32 @!p0 s3, s7;
	s7 =	simm.s32 @!p0 $0x108  }
0x21: {  	s3 =	sadd.s32 s3, s9;
	s6 =	sadd.s32 @!p0 $0x88, s6;
	s7 =	simm.s32 @p2 $0x1082  }
0x22: {  	[simem:s7], [sflag:s8] =	dma.local @!p0 [hbm:s6], $0xF7A  }
0x23: {  	s9 =	sor.u32 $0xD0000000, s2;
	s6 =	simm.s32 $0x108;
	_ =	swait.ge @!p0 [sflag:s8], $0x0  }
0x24: {  	s3 =	sadd.s32 $0x88, s3;
	s6 =	simm.s32 @!p1 $0x1082;
	[sflag:s4] =	ssyncset.s32 $0xFFFFF086  }
0x25: {  	[simem:s6], [sflag:s4] =	dma.local [hbm:s3], $0xF7A  }
0x26: {  	[smem:$0x3F99] =	sst s1;
	(tag) =	ssettag s2;
	_ =	strace s9  }
0x27: {  	s1 =	sld [smem:$0x3FA9]  }
0x28: {  	s2 =	sld [smem:$0x3FAA]  }
0x29: {  	s4 =	sld [smem:$0x3FAC]  }
0x2a: {  	p0 =	seq.s32 s5, $0x0;
	s5 =	sld [smem:$0x3FAD]  }
0x2b: {  	s6 =	sld [smem:$0x3FAE]  }
0x2c: {  	s7 =	sld [smem:$0x3FAF]  }
0x2d: {  	s3 =	simm.s32 $0x108;
	s8 =	sld [smem:$0x3FB0]  }
0x2e: {  	s3 =	simm.s32 @!p0 $0x1082;
	s9 =	sld [smem:$0x3FB1]  }
0x2f: {  	lr =	sadd.s32 s0, s3;
	s0 =	sld [smem:$0x3FA8]  }
0x30: {  	s3 =	sld [smem:$0x3FAB]  }
0x31: {  	[smem:$0x3FB4] =	sst s10  }
0x32: {  	s10 =	sld [smem:$0x3FB2];
	_ =	sdelay $0x3  }
0x33: {  	p0 =	seq.s32 s10, $0x1;
	s10 =	sld [smem:$0x3FB4];
	_ =	sdelay $0x3  }
0x34: {  	[smem:$0x3FB4] =	sst s10  }
0x35: {  	s10 =	sld [smem:$0x3FB3];
	_ =	sdelay $0x3  }
0x36: {  	p1 =	seq.s32 s10, $0x1;
	s10 =	sld [smem:$0x3FB4];
	_ =	sdelay $0x3  }
0x37: {  	[smem:$0x3FB4] =	sst s10  }
0x38: {  	s10 =	sld [smem:$0x3FB5]  }
0x39: {  	_ = 	snop;
	(pc) =	sbr.ind lr, $3  }
0x3a: {  	_ = 	snop  }
0x3b: {  	_ = 	snop  }
0x3c: {  	p2 =	seq.s32 s10, $0x1;
	s10 =	sld [smem:$0x3FB4]  }
0x3d: {  	_ =	shalt  }
0x3e: {  	_ =	shalt  }
0x3f: {  	_ =	shalt  }
0x40: {  	_ =	shalt  }
0x41: {  	_ =	shalt  }
0x42: {  	_ =	shalt  }
0x43: {  	_ =	shalt  }
0x44: {  	_ =	shalt  }
0x45: {  	_ =	shalt  }
0x46: {  	_ =	shalt  }
0x47: {  	_ =	shalt  }
0x48: {  	_ =	shalt  }
0x49: {  	_ =	shalt  }
0x4a: {  	_ =	shalt  }
0x4b: {  	_ =	shalt  }
0x4c: {  	_ =	shalt  }
0x4d: {  	_ =	shalt  }
0x4e: {  	_ =	shalt  }
0x4f: {  	_ =	shalt  }
0x50: {  	_ =	shalt  }
0x51: {  	_ =	shalt  }
0x52: {  	_ =	shalt  }
0x53: {  	_ =	shalt  }
0x54: {  	_ =	shalt  }
0x55: {  	_ =	shalt  }
0x56: {  	_ =	shalt  }
0x57: {  	_ =	shalt  }
0x58: {  	_ =	shalt  }
0x59: {  	_ =	shalt  }
0x5a: {  	_ =	shalt  }
0x5b: {  	_ =	shalt  }
0x5c: {  	_ =	shalt  }
0x5d: {  	_ =	shalt  }
0x5e: {  	_ =	shalt  }
0x5f: {  	_ =	shalt  }
0x60: {  	_ =	shalt  }
0x61: {  	_ =	shalt  }
0x62: {  	_ =	shalt  }
0x63: {  	_ =	shalt  }
0x64: {  	_ =	shalt  }
0x65: {  	_ =	shalt  }
0x66: {  	_ =	shalt  }
0x67: {  	_ =	shalt  }
0x68: {  	_ =	shalt  }
0x69: {  	_ =	shalt  }
0x6a: {  	_ =	shalt  }
0x6b: {  	_ =	shalt  }
0x6c: {  	_ =	shalt  }
0x6d: {  	_ =	shalt  }
0x6e: {  	_ =	shalt  }
0x6f: {  	_ =	shalt  }
0x70: {  	_ =	shalt  }
0x71: {  	_ =	shalt  }
0x72: {  	_ =	shalt  }
0x73: {  	_ =	shalt  }
0x74: {  	_ =	shalt  }
0x75: {  	_ =	shalt  }
0x76: {  	_ =	shalt  }
0x77: {  	_ =	shalt  }
0x78: {  	_ =	shalt  }
0x79: {  	_ =	shalt  }
0x7a: {  	_ =	shalt  }
0x7b: {  	_ =	shalt  }
0x7c: {  	_ =	shalt  }
0x7d: {  	_ =	shalt  }
0x7e: {  	_ =	shalt  }
0x7f: {  	_ =	shalt  }
0x80: {  	_ =	shalt  }
0x81: {  	_ =	shalt  }
0x82: {  	_ =	shalt  }
0x83: {  	_ =	shalt  }
0x84: {  	_ =	shalt  }
0x85: {  	_ =	shalt  }
0x86: {  	_ =	shalt  }
0x87: {  	_ =	shalt  }
.Lfunc_end0:
.L_simem_size_0:
called_computation_lowered:
.L_overlay_start_0:
0x88: {  	s2 =	sld [smem:$0x3FD9]  }
0x89: {  	s3 =	sld [smem:$0x3FFE];
	_ =	sdelay $0x1  }
0x8a: {  	s1 =	srdreg.scid  }
0x8b: {  	s0 =	sand.u32 $0x1, s1  }
0x8c: {  	s17 =	sshll.u32 s0, $0xA;
	s2 =	sadd.s32 s3, s2  }
0x8d: {  	s2 =	sadd.s32 s2, s17  }
0x8e: {  	[smem:$0x3FC0] =	sst s2  }
0x8f: {  	_ = 	snop  }
0x90: {  	s2 =	sld [smem:$0x3FC5]  }
0x91: {  	s18 =	sld [smem:$0x3FC4];
	(tm) =	ssettm $0x1  }
0x92: {  	s4 =	sld [smem:$0x3FFB];
	_ =	sdelay $0x3  }
0x93: {  	_ =	strace s4  }
0x94: {  	s4 =	sld [smem:$0x3FFC];
	_ =	sdelay $0x3  }
0x95: {  	_ =	strace s4  }
0x96: {  	s4 =	sld [smem:$0x3FFD];
	_ =	sdelay $0x3  }
0x97: {  	_ =	strace s4  }
0x98: {  	_ =	strace $0x8FFFFFFF  }
0x99: {  	s19 =	sld [smem:$0x3FDB];
	_ =	sdelay $0x1  }
0x9a: {  	s5 =	simm.s32 $_scs_section_size  }
0x9b: {  	s6 =	simm.s32 $_size__tile_overlayer_lowered;
	s7 =	simm.s32 $_tile_overlayer_lowered  }
0x9c: {  	s22 =	simm.s32 $0x1BFF;
	s21 =	sshll.u32 s7, $0x1;
	s4 =	sadd.s32 s5, s19  }
0x9d: {  	s8 =	simm.s32 $0x0;
	s20 =	sshll.u32 s6, $0x1;
	s6 =	sadd.s32 s21, s4  }
0x9e: {  	[timem:s8], [sflag:s22] =	dma.local [hbm:s6], s20  }
0x9f: {  	_ =	swait.ge [sflag:s22], s20  }
0xa0: {  	s5 =	ssub.s32 $0x0, s20;
	[sflag:s22] =	ssyncset.done $0x0  }
0xa1: {  	[sflag:s22] =	ssyncadd.s32 s5;
	_ =	sdelay $0x1  }
0xa2: {  	s23 =	simm.s32 $0x1B8B  }
0xa3: {  	_ =	swait.ge [sflag:s23], $0x1  }
0xa4: {  	[sflag:s23] =	ssyncset.done $0x0  }
0xa5: {  	s25 =	simm.s32 $0x1B8E;
	s24 =	sld [smem:$0x3FFE];
	[sflag:s23] =	ssyncadd.s32 $0xFFFFFFFF  }
0xa6: {  	s26 =	simm.s32 $execute0_lowered;
	[smem:$0x3FD2] =	sst s25  }
0xa7: {  	s6 =	sshll.u32 s26, $0x1;
	_ =	strace $0x80000046;
	[dreg:$0x1] =	wrdreg $0xFFFFFFFF  }
0xa8: {  	s28 =	simm.s32 $_size_execute0_lowered;
	s4 =	sadd.s32 s4, s6;
	[dreg:$0x0] =	wrdreg $0x0  }
0xa9: {  	s6 =	sshll.u32 s28, $0x1;
	[dreg:$0x2] =	wrdreg s4  }
0xaa: {  	[dreg:$0x3] =	wrdreg s6  }
0xab: {  	[dreg:$0x4] =	wrdreg $0xC0  }
0xac: {  	_ =	task [dreg:s8], $0x5FFFF  }
0xad: {  	[dreg:$0x1] =	wrdreg $0xFFFFFFFF  }
0xae: {  	[dreg:$0x0] =	wrdreg $0x60  }
0xaf: {  	[dreg:$0x2] =	wrdreg s18  }
0xb0: {  	[dreg:$0x3] =	wrdreg s2  }
0xb1: {  	[dreg:$0x4] =	wrdreg s24  }
0xb2: {  	[dreg:$0x5] =	wrdreg $0x9  }
0xb3: {  	_ =	task.clear_ibuf [dreg:s8], $0x6FFFF;
	_ =	strace $0x90000046  }
0xb4: {  	s29 =	simm.s32 $0x9;
	_ =	strace $0x80000048  }
0xb5: {  	_ =	swait.ge [sflag:s29], $0x1  }
0xb6: {  	[sflag:s29] =	ssyncadd.s32 $0xFFFFFFFF  }
0xb7: {  	_ =	strace $0x90000048  }
0xb8: {  	_ =	sfence  }
0xb9: {  	s30 =	sld [smem:$0x0];
	_ =	sdelay $0x2  }
0xba: {  	s31 =	sshll.u32 s1, $0xD;
	s1 =	sshrl.u32 s1, $0x2  }
0xbb: {  	s3 =	sand.u32 $0x4000, s31;
	s1 =	sadd.s32 s1, s30  }
0xbc: {  	s0 =	sor.u32 s3, s0;
	s1 =	sshll.u32 s1, $0x11  }
0xbd: {  	s0 =	sor.u32 s1, s0  }
0xbe: {  	s0 =	sadd.s32 $0x8F2B, s0  }
0xbf: {  	[sflag:s0] =	ssyncadd.remote.s32 $0x1  }
0xc0: {  	_ =	sfence.sel $0xFFFF  }
0xc1: {  	[dreg:$0x0] =	wrdreg $0xFFFFFFFF;
	(pc) =	sbr.abs _section_cstart, $3  }
0xc2: {  	[dreg:$0x1] =	wrdreg $0xFFFFFFFF  }
0xc3: {  	_ =	task.clear_ibuf [dreg:s8], $0x2FFFF;
	_ =	strace $0x9FFFFFFF  }
0xc4: {  	(tm) =	ssettm $0x7FFFFFFF  }
0xc5: {  	_ =	shalt  }
tec
execute0_lowered:
.L_overlay_start_1:
0x0: {  	(tag) =	ssettag $0x1  }
0x1: {  	s1 =	rddreg [dreg:$0x0];
	s2 =	srdreg.scid  }
0x2: {  	s4 =	rddreg [dreg:$0x1];
	s0 =	stileid.u32;
	s14 =	sand.u32 $0x1, s2  }
0x3: {  	s15 =	rddreg [dreg:$0x2];
	s5 =	sshll.u32 s0, $0xA;
	s6 =	sshll.u32 s14, $0x9  }
0x4: {  	s3 =	simm.s32 $0x0;
	s2 =	rddreg [dreg:$0x3];
	s16 =	sor.u32 s6, s5  }
0x5: {  	[smem:$0x7FF] =	sst s3;
	s5 =	sshrl.u32 s16, $0x3  }
0x6: {  	_ =	strace $0x80000047;
	s5 =	sadd.s32 s4, s5;
	s4 =	simm.s32 $0x2  }
0x7: {  	[tilespmem:s3], [sflag:$0x2] =	stream.linear.gather [hbm4b:s5+s3], $0x200, $0x38;
	[tilespmem:$0x10200] =	vst v63  }
0x8: {  	_ =	swait.ge [sflag:s4], $0x200  }
0x9: {  	[sflag:s4] =	ssyncset.done $0x0  }
0xa: {  	s7 =	simm.s32 $0x200;
	s6 =	simm.s32 $0x80;
	[sflag:s4] =	ssyncadd.s32 $0xFFFFFE00  }
0xb: {  	[tilespmem:s7], [sflag:$0x1] =	stream.indirect.gather [hbm4b:s1+s6], $0x80, s3, s6, $0xb8;
	[tilespmem:$0x10200] =	vst v63  }
0xc: {  	s8 =	simm.s32 $0x4200  }
0xd: {  	[tilespmem:s8], [sflag:$0x1] =	stream.indirect.gather [hbm4b:s1+s6], $0x80, s6, s6, $0xb8;
	[tilespmem:$0x10200] =	vst v63  }
0xe: {  	s9 =	simm.s32 $0x100;
	s10 =	simm.s32 $0x8200  }
0xf: {  	[tilespmem:s10], [sflag:$0x1] =	stream.indirect.gather [hbm4b:s1+s6], $0x80, s9, s6, $0xb8;
	[tilespmem:$0x10200] =	vst v63  }
0x10: {  	s11 =	simm.s32 $0x180;
	s12 =	simm.s32 $0xC200;
	s13 =	simm.s32 $0x1  }
0x11: {  	[tilespmem:s12], [sflag:$0x1] =	stream.indirect.gather [hbm4b:s1+s6], $0x80, s11, s6, $0xb8;
	[tilespmem:$0x10200] =	vst v63  }
0x12: {  	_ =	swait.ge [sflag:s13], $0x4000  }
0x13: {  	[sflag:s13] =	ssyncset.done $0x0  }
0x14: {  	[sflag:s13] =	ssyncadd.s32 $0xFFFFC000  }
0x15: {  	_ =	swait.ge [sflag:s13], $0x4000  }
0x16: {  	[sflag:s13] =	ssyncset.done $0x0  }
0x17: {  	s14 =	ssub.s32 $0x2, s14;
	[sflag:s13] =	ssyncadd.s32 $0xFFFFC000  }
0x18: {  	s17 =	sshrl.u32 s14, $0x1;
	_ =	swait.ge [sflag:s13], $0x4000  }
0x19: {  	s30 =	ssub.s32 s14, s17;
	[sflag:s13] =	ssyncset.done $0x0  }
0x1a: {  	s31 =	smax.u32 s30, $0x1;
	[sflag:s13] =	ssyncadd.s32 $0xFFFFC000  }
0x1b: {  	s16 =	sshll.u32 s16, $0x4;
	p0 =	sne.s32 s31, $0x1;
	_ =	swait.ge [sflag:s13], $0x4000  }
.Ltmp0:
0x1c: {  	s15 =	sadd.s32 s16, s15;
	[sflag:s13] =	ssyncset.done $0x0;
	(pc) =	sbr.rel @!p0 .LBB2_2-.Ltmp0, $4  }
0x1d: {  	s14 =	sadd.s32 $0xC00, s15;
	[sflag:s13] =	ssyncadd.s32 $0xFFFFC000  }
0x1e: {  	[hbm4b:s14+s3] =	stream.linear.scatter [tilespmem:s7], [sflag:$0x2], $0x10000, $0x38;
	[tilespmem:$0x10200] =	vst v63  }
0x1f: {  	_ =	swait.ge [sflag:s4], $0x10000  }
0x20: {  	s15 =	sadd.s32 $0xFFFFFFFF, s31;
	[sflag:s4] =	ssyncset.done $0x0  }
.LBB2_1:
0x21: {  	p0 =	sne.s32 s15, $0x1;
	s15 =	sadd.s32 $0xFFFFFFFF, s15;
	[sflag:s4] =	ssyncadd.s32 $0xFFFF0000  }
0x22: {  	[tilespmem:s3], [sflag:$0x2] =	stream.linear.gather [hbm4b:s5+s3], $0x200, $0x38;
	[tilespmem:$0x10200] =	vst v63  }
0x23: {  	_ =	swait.ge [sflag:s4], $0x200  }
0x24: {  	[sflag:s4] =	ssyncset.done $0x0  }
0x25: {  	[sflag:s4] =	ssyncadd.s32 $0xFFFFFE00  }
0x26: {  	[tilespmem:s7], [sflag:$0x1] =	stream.indirect.gather [hbm4b:s1+s6], $0x80, s3, s6, $0xb8;
	[tilespmem:$0x10200] =	vst v63  }
0x27: {  	_ = 	snop  }
0x28: {  	[tilespmem:s8], [sflag:$0x1] =	stream.indirect.gather [hbm4b:s1+s6], $0x80, s6, s6, $0xb8;
	[tilespmem:$0x10200] =	vst v63  }
0x29: {  	_ = 	snop  }
0x2a: {  	[tilespmem:s10], [sflag:$0x1] =	stream.indirect.gather [hbm4b:s1+s6], $0x80, s9, s6, $0xb8;
	[tilespmem:$0x10200] =	vst v63  }
0x2b: {  	_ = 	snop  }
0x2c: {  	[tilespmem:s12], [sflag:$0x1] =	stream.indirect.gather [hbm4b:s1+s6], $0x80, s11, s6, $0xb8;
	[tilespmem:$0x10200] =	vst v63  }
0x2d: {  	_ =	swait.ge [sflag:s13], $0x4000  }
0x2e: {  	[sflag:s13] =	ssyncset.done $0x0  }
0x2f: {  	[sflag:s13] =	ssyncadd.s32 $0xFFFFC000  }
0x30: {  	_ =	swait.ge [sflag:s13], $0x4000  }
0x31: {  	[sflag:s13] =	ssyncset.done $0x0  }
0x32: {  	[sflag:s13] =	ssyncadd.s32 $0xFFFFC000  }
0x33: {  	_ =	swait.ge [sflag:s13], $0x4000  }
0x34: {  	[sflag:s13] =	ssyncset.done $0x0  }
0x35: {  	[sflag:s13] =	ssyncadd.s32 $0xFFFFC000  }
0x36: {  	_ =	swait.ge [sflag:s13], $0x4000  }
.Ltmp1:
0x37: {  	[sflag:s13] =	ssyncset.done $0x0;
	(pc) =	sbr.rel @p0 .LBB2_1-.Ltmp1, $4  }
0x38: {  	[sflag:s13] =	ssyncadd.s32 $0xFFFFC000  }
0x39: {  	[hbm4b:s14+s3] =	stream.linear.scatter [tilespmem:s7], [sflag:$0x2], $0x10000, $0x38;
	[tilespmem:$0x10200] =	vst v63  }
0x3a: {  	_ =	swait.ge [sflag:s4], $0x10000  }
0x3b: {  	[sflag:s4] =	ssyncset.done $0x0  }
.LBB2_2:
0x3c: {  	[sflag:s4] =	ssyncadd.s32 $0xFFFF0000  }
0x3d: {  	_ =	sfence.sel $0x180000  }
0x3e: {  	[bflag:$0x0] =	sbarrier.arrive $0xFFFF  }
0x3f: {  	p0 =	sne.s32 s0, $0x0;
	_ =	strace $0x90000047  }
0x40: {  	s0 =	sadd.s32 @!p0 $0x100000, s2;
	[bflag:$0x2] =	sbarrier.arrive $0xFFFF  }
0x41: {  	[sflag:s0] =	ssyncadd.tile.s32 @!p0 $0x1;
	_ =	shalt  }
.Lfunc_end2:
_tile_overlayer_lowered:
.L_overlay_start_2:
0x42: {  	(tag) =	ssettag $0x2  }
0x43: {  	s0 =	rddreg [dreg:$0x0];
	s2 =	stileid.u32  }
0x44: {  	s1 =	rddreg [dreg:$0x1];
	p0 =	sne.s32 s2, $0x0  }
0x45: {  	s3 =	rddreg [dreg:$0x2];
	[bflag:$0x3] =	sbarrier.arrive $0xFFFF;
	s2 =	simm.s32 @!p0 $0x1C02  }
0x46: {  	[timem:s3], [sflag:s2] =	dma.local @!p0 [hbm:s0], s1  }
0x47: {  	s0 =	simm.s32 @!p0 $0x2  }
0x48: {  	_ =	swait.ge @!p0 [sflag:s0], s1  }
0x49: {  	s1 =	ssub.s32 @!p0 $0x0, s1;
	[sflag:s0] =	ssyncset.done @!p0 $0x0  }
0x4a: {  	[sflag:s0] =	ssyncadd.s32 @!p0 s1  }
0x4b: {  	[bflag:$0x3] =	sbarrier.arrive $0xFFFF  }
0x4c: {  	_ =	shalt  }

</sc_bundles>
